<compile_context>
chip_gen: v7x
topology: tpu7x:2x2x1
jax: 0.10.2.dev20260603
libtpu: 0.0.44.dev20260713+nightly
codegen_flags: <defaults>
</compile_context>

<pallas_src>
import functools

import jax
import jax.numpy as jnp
from jax import lax
from jax.experimental import pallas as pl
from jax.experimental.pallas import tpu as pltpu
from jax.experimental.pallas import tpu_sc as plsc


def _table_body(beta_ref, alpha_ref, mu_ref, obs_ref, t_ref, s_ref,
                out_ref, idx_ref):
    n_time, n_space = obs_ref.shape
    beta = beta_ref[0, 0]
    ti = lax.broadcasted_iota(jnp.int32, (n_time, n_time), 0)
    tp = lax.broadcasted_iota(jnp.int32, (n_time, n_time), 1)
    w = jnp.where(tp < ti, jnp.exp(-beta * (ti - tp).astype(jnp.float32)), 0.0)
    d = jnp.dot(w, obs_ref[...].astype(jnp.float32),
                preferred_element_type=jnp.float32,
                precision=lax.Precision.HIGHEST)
    ii = lax.broadcasted_iota(jnp.int32, (n_space, n_space), 0)
    jj = lax.broadcasted_iota(jnp.int32, (n_space, n_space), 1)
    adiag = jnp.sum(jnp.where(ii == jj, alpha_ref[...], 0.0),
                    axis=0, keepdims=True)
    out_ref[...] = jnp.maximum(mu_ref[...] + (beta * adiag) * d, 1e-5)
    idx_ref[...] = t_ref[...] * n_space + s_ref[...]


def _build_table(n_time, n_space, batch):
    return pl.pallas_call(
        _table_body,
        out_shape=[
            jax.ShapeDtypeStruct((n_time, n_space), jnp.float32),
            jax.ShapeDtypeStruct((batch,), jnp.int32),
        ],
        in_specs=[
            pl.BlockSpec(memory_space=pltpu.SMEM),
            pl.BlockSpec(memory_space=pltpu.VMEM),
            pl.BlockSpec(memory_space=pltpu.VMEM),
            pl.BlockSpec(memory_space=pltpu.VMEM),
            pl.BlockSpec(memory_space=pltpu.VMEM),
            pl.BlockSpec(memory_space=pltpu.VMEM),
        ],
    )


_NS = 16


def _build_gather(batch):
    nw = _NS
    bpw = batch // nw
    mesh = plsc.VectorSubcoreMesh(core_axis_name="c", subcore_axis_name="s", num_cores=1)

    @functools.partial(
        pl.kernel,
        mesh=mesh,
        out_type=jax.ShapeDtypeStruct((batch,), jnp.float32),
        scratch_types=[
            pltpu.VMEM((bpw,), jnp.int32),
            pltpu.VMEM((bpw,), jnp.float32),
            pltpu.SemaphoreType.DMA,
        ],
    )
    def gk(tab_hbm, idx_hbm, out_hbm, idx_v, val_v, sem):
        wid = lax.axis_index("s")
        base = wid * bpw
        pltpu.sync_copy(idx_hbm.at[pl.ds(base, bpw)], idx_v)
        pltpu.async_copy(tab_hbm.at[idx_v], val_v, sem).wait()
        pltpu.sync_copy(val_v, out_hbm.at[pl.ds(base, bpw)])

    return gk


def kernel(alpha, beta, mu, obs, t, s):
    n_time, n_space = obs.shape
    batch = t.shape[0]
    table, idx = _build_table(n_time, n_space, batch)(
        beta.reshape(1, 1), alpha, mu.reshape(1, n_space), obs, t, s)
    return _build_gather(batch)(table.reshape(-1), idx)

# --- scband reference (transcript-rebuilt; emitter-appended) ---
"""Pipeline reference for scband-discrete-hawkes-61856118997059 (READ-ONLY COPY).

The authoritative reference and input builder live on the scoring server;
editing this copy changes nothing except your own understanding.
"""

import jax, jax.numpy as jnp
import numpy as np

N_TIME = 256
N_SPACE = 128
BATCH = 512


def setup_inputs(seed: int = 0) -> dict:
    key = jax.random.key(seed)
    k1, k2, k3, k4, k5, k6 = jax.random.split(key, 6)
    # learned / fixed parameters of DiscreteHawkes + DiscreteExponentialKernel_
    obs = jax.random.randint(k1, (N_TIME, N_SPACE), 0, 5).astype(jnp.int32)  # event counts (long in torch)
    alpha = (0.01 * jax.random.normal(k2, (N_SPACE, N_SPACE), dtype=jnp.float32)
             + 0.1 * jnp.eye(N_SPACE, dtype=jnp.float32))
    beta = 0.5 + 0.5 * jnp.abs(jax.random.normal(k3, (1,), dtype=jnp.float32))
    mu = 0.1 + 0.1 * jnp.abs(jax.random.normal(k4, (N_SPACE,), dtype=jnp.float32))
    # forward args: batch of (time, space) query points for lam(t, s)
    t = jax.random.randint(k5, (BATCH,), 0, N_TIME).astype(jnp.int32)
    s = jax.random.randint(k6, (BATCH,), 0, N_SPACE).astype(jnp.int32)
    return {"alpha": alpha, "beta": beta, "mu": mu, "obs": obs, "t": t, "s": s}


def reference(alpha, beta, mu, obs, t, s):
    # DiscreteHawkes.lam(t, s) with the DiscreteExponentialKernel_ inlined.
    n_time, n_space = obs.shape
    batch = t.shape[0]
    # torch uses max_t = max(t); using full n_time is mathematically identical because
    # the mask (tp < t) zeroes every extra column.
    max_t = n_time
    tp = jnp.broadcast_to(jnp.arange(max_t, dtype=jnp.int32)[None, None, :], (batch, n_space, max_t))
    sp = jnp.broadcast_to(jnp.arange(n_space, dtype=jnp.int32)[None, :, None], (batch, n_space, max_t))
    t_b = jnp.broadcast_to(t[:, None, None], (batch, n_space, max_t))
    s_b = jnp.broadcast_to(s[:, None, None], (batch, n_space, max_t))
    mask = tp < t_b
    tp_ = tp.reshape(-1)
    sp_ = sp.reshape(-1)
    t_ = t_b.reshape(-1)
    s_ = s_b.reshape(-1)
    # kernel forward: gathers (embedding-style lookups)
    obs_ = obs[tp_, sp_].astype(jnp.float32)
    temp = jnp.eye(n_space, dtype=alpha.dtype) * alpha
    alpha_ = temp[sp_, s_]
    decay = beta * jnp.exp(-beta * jnp.abs((t_ - tp_).astype(jnp.float32)))
    val = alpha_ * obs_ * decay
    val = val.reshape(mask.shape) * mask
    lam = mu[s] + val.sum(-1).sum(-1)
    lam = jnp.clip(lam, 1e-05, None)
    return lam

if __name__ == "__main__":
    import jax
    _d = setup_inputs()
    print(jax.jit(kernel)(*tuple(_d.values())))

</pallas_src>

<mosaic_0001>
#map = affine_map<(d0, d1) -> (0)>
module attributes {stable_mosaic.version = 14 : i64} {
  func.func @gk(%arg0: i32, %arg1: i32, %arg2: memref<32768xf32, #tpu.memory_space<hbm>>, %arg3: memref<512xi32, #tpu.memory_space<hbm>>, %arg4: memref<512xf32, #tpu.memory_space<hbm>>, %arg5: memref<32xi32, #tpu.memory_space<vmem>>, %arg6: memref<32xf32, #tpu.memory_space<vmem>>, %arg7: memref<!tpu.dma_semaphore, #tpu.memory_space<semaphore_mem>>) attributes {dimension_semantics = [#tpu.dimension_semantics<core_parallel>, #tpu.dimension_semantics<subcore_parallel>], iteration_bounds = array<i64: 1, 16>, scalar_prefetch = 0 : i64, scratch_operands = 3 : i64, tpu.core_type = #tpu.core_type<sc_vector_subcore>, window_params = [{transform_indices = #map}, {transform_indices = #map}, {transform_indices = #map}]} {
    %mul3A = arith.constant 32 : i32
    %mul3A_0 = arith.muli %arg1, %mul3A : i32
    "tpu.region"() ({
      %run_scoped3A = tpu.sem_alloc : memref<!tpu.dma_semaphore, #tpu.memory_space<semaphore_mem>>
      %dma_start3A_3 = tpu.memref_slice %arg3[%mul3A_0] : memref<512xi32, #tpu.memory_space<hbm>> -> memref<32xi32, #tpu.memory_space<hbm>>
      %dma_start3A_4 = tpu.memref_slice %arg3[%mul3A_0] : memref<512xi32, #tpu.memory_space<hbm>> -> memref<32xi32, #tpu.memory_space<hbm>>
      tpu.enqueue_dma source(%dma_start3A_4 : memref<32xi32, #tpu.memory_space<hbm>>) target(%arg5 : memref<32xi32, #tpu.memory_space<vmem>>) target_semaphore(%run_scoped3A : memref<!tpu.dma_semaphore, #tpu.memory_space<semaphore_mem>>)
      %dma_wait3A_5 = tpu.memref_slice %arg3[%mul3A_0] : memref<512xi32, #tpu.memory_space<hbm>> -> memref<32xi32, #tpu.memory_space<hbm>>
      %dma_wait3A_6 = tpu.memref_slice %arg3[%mul3A_0] : memref<512xi32, #tpu.memory_space<hbm>> -> memref<32xi32, #tpu.memory_space<hbm>>
      tpu.wait_dma2 semaphore(%run_scoped3A : memref<!tpu.dma_semaphore, #tpu.memory_space<semaphore_mem>>) src(%dma_wait3A_6 : memref<32xi32, #tpu.memory_space<hbm>>) dst(%arg5 : memref<32xi32, #tpu.memory_space<vmem>>)
      tpu.yield
    }) : () -> ()
    %dma_start3A = arith.constant 0 : i32
    %dma_start3A_1 = tpu.memref_slice %arg2[%dma_start3A] : memref<32768xf32, #tpu.memory_space<hbm>> -> memref<32768xf32, #tpu.memory_space<hbm>>
    tpu.enqueue_indirect_dma source(%dma_start3A_1 : memref<32768xf32, #tpu.memory_space<hbm>>) target(%arg6 : memref<32xf32, #tpu.memory_space<vmem>>) offsets(%arg5 : memref<32xi32, #tpu.memory_space<vmem>>) semaphore(%arg7 : memref<!tpu.dma_semaphore, #tpu.memory_space<semaphore_mem>>)
    %dma_wait3A = arith.constant 0 : i32
    %dma_wait3A_2 = tpu.memref_slice %arg2[%dma_wait3A] : memref<32768xf32, #tpu.memory_space<hbm>> -> memref<32768xf32, #tpu.memory_space<hbm>>
    tpu.wait_indirect_dma semaphore(%arg7 : memref<!tpu.dma_semaphore, #tpu.memory_space<semaphore_mem>>) src(%dma_wait3A_2 : memref<32768xf32, #tpu.memory_space<hbm>>) dst(%arg6 : memref<32xf32, #tpu.memory_space<vmem>>)
    "tpu.region"() ({
      %run_scoped3A = tpu.sem_alloc : memref<!tpu.dma_semaphore, #tpu.memory_space<semaphore_mem>>
      %dma_start3A_3 = tpu.memref_slice %arg4[%mul3A_0] : memref<512xf32, #tpu.memory_space<hbm>> -> memref<32xf32, #tpu.memory_space<hbm>>
      %dma_start3A_4 = tpu.memref_slice %arg4[%mul3A_0] : memref<512xf32, #tpu.memory_space<hbm>> -> memref<32xf32, #tpu.memory_space<hbm>>
      tpu.enqueue_dma source(%arg6 : memref<32xf32, #tpu.memory_space<vmem>>) target(%dma_start3A_4 : memref<32xf32, #tpu.memory_space<hbm>>) target_semaphore(%run_scoped3A : memref<!tpu.dma_semaphore, #tpu.memory_space<semaphore_mem>>)
      %dma_wait3A_5 = tpu.memref_slice %arg4[%mul3A_0] : memref<512xf32, #tpu.memory_space<hbm>> -> memref<32xf32, #tpu.memory_space<hbm>>
      %dma_wait3A_6 = tpu.memref_slice %arg4[%mul3A_0] : memref<512xf32, #tpu.memory_space<hbm>> -> memref<32xf32, #tpu.memory_space<hbm>>
      tpu.wait_dma2 semaphore(%run_scoped3A : memref<!tpu.dma_semaphore, #tpu.memory_space<semaphore_mem>>) src(%arg6 : memref<32xf32, #tpu.memory_space<vmem>>) dst(%dma_wait3A_6 : memref<32xf32, #tpu.memory_space<hbm>>)
      tpu.yield
    }) : () -> ()
    return
  }
}

module attributes {stable_mosaic.version = 14 : i64} {
  func.func @_table_body(%arg0: memref<1x1xf32, #tpu.memory_space<smem>>, %arg1: memref<128x128xf32, #tpu.memory_space<vmem>>, %arg2: memref<1x128xf32, #tpu.memory_space<vmem>>, %arg3: memref<256x128xi32, #tpu.memory_space<vmem>>, %arg4: memref<512xi32, #tpu.memory_space<vmem>>, %arg5: memref<512xi32, #tpu.memory_space<vmem>>, %arg6: memref<256x128xf32, #tpu.memory_space<vmem>>, %arg7: memref<512xi32, #tpu.memory_space<vmem>>) attributes {dimension_semantics = [], scalar_prefetch = 0 : i64, scratch_operands = 0 : i64, tpu.core_type = #tpu.core_type<tc>} {
    %get3A = arith.constant 0 : index
    %get3A_0 = arith.constant 0 : index
    %get3A_1 = memref.load %arg0[%get3A, %get3A_0] : memref<1x1xf32, #tpu.memory_space<smem>>
    %iota3A = tpu.iota {dimensions = array<i32: 0>} : vector<256x256xi32>
    %iota3A_2 = tpu.iota {dimensions = array<i32: 1>} : vector<256x256xi32>
    %lt3A = arith.cmpi slt, %iota3A_2, %iota3A : vector<256x256xi32>
    %neg3A = arith.constant 0.000000e+00 : f32
    %neg3A_3 = arith.subf %neg3A, %get3A_1 : f32
    %sub3A = arith.subi %iota3A, %iota3A_2 : vector<256x256xi32>
    %convert_element_type3A = arith.sitofp %sub3A : vector<256x256xi32> to vector<256x256xf32>
    %mul3A = vector.broadcast %neg3A_3 : f32 to vector<256x256xf32>
    %mul3A_4 = arith.mulf %mul3A, %convert_element_type3A : vector<256x256xf32>
    %exp3A = math.exp %mul3A_4 : vector<256x256xf32>
    %jit3A = arith.constant 0.000000e+00 : f32
    %broadcast_in_dim3A = vector.broadcast %jit3A : f32 to vector<256x256xf32>
    %select_n3A = arith.select %lt3A, %exp3A, %broadcast_in_dim3A : vector<256x256xi1>, vector<256x256xf32>
    %get3A_5 = arith.constant 0 : index
    %get3A_6 = arith.constant 0 : index
    %get3A_7 = vector.load %arg3[%get3A_5, %get3A_6] : memref<256x128xi32, #tpu.memory_space<vmem>>, vector<256x128xi32>
    %convert_element_type3A_8 = arith.sitofp %get3A_7 : vector<256x128xi32> to vector<256x128xf32>
    %dot_general3A = arith.constant dense<0.000000e+00> : vector<256x128xf32>
    %dot_general3A_9 = tpu.matmul %select_n3A, %convert_element_type3A_8, %dot_general3A {dimension_numbers = #tpu.dot_dimension_numbers<[1], [0], [0], [1], [0, 0, 1, 1], [], []>, precision = #tpu.contract_precision<fp32>, transpose_lhs_hint = false} : vector<256x256xf32>, vector<256x128xf32>, vector<256x128xf32> -> vector<256x128xf32>
    %iota3A_10 = tpu.iota {dimensions = array<i32: 0>} : vector<128x128xi32>
    %iota3A_11 = tpu.iota {dimensions = array<i32: 1>} : vector<128x128xi32>
    %eq3A = arith.cmpi eq, %iota3A_10, %iota3A_11 : vector<128x128xi32>
    %get3A_12 = arith.constant 0 : index
    %get3A_13 = arith.constant 0 : index
    %get3A_14 = vector.load %arg1[%get3A_12, %get3A_13] : memref<128x128xf32, #tpu.memory_space<vmem>>, vector<128x128xf32>
    %jit3A_15 = arith.constant 0.000000e+00 : f32
    %broadcast_in_dim3A_16 = vector.broadcast %jit3A_15 : f32 to vector<128x128xf32>
    %select_n3A_17 = arith.select %eq3A, %get3A_14, %broadcast_in_dim3A_16 : vector<128x128xi1>, vector<128x128xf32>
    %reduce_sum3A = arith.constant dense<0.000000e+00> : vector<128xf32>
    %reduce_sum3A_18 = vector.multi_reduction <add>, %select_n3A_17, %reduce_sum3A [0] : vector<128x128xf32> to vector<128xf32>
    %broadcast_in_dim3A_19 = vector.shape_cast %reduce_sum3A_18 : vector<128xf32> to vector<1x128xf32>
    %get3A_20 = arith.constant 0 : index
    %get3A_21 = arith.constant 0 : index
    %get3A_22 = vector.load %arg2[%get3A_20, %get3A_21] : memref<1x128xf32, #tpu.memory_space<vmem>>, vector<1x128xf32>
    %mul3A_23 = vector.broadcast %get3A_1 : f32 to vector<1x128xf32>
    %mul3A_24 = arith.mulf %mul3A_23, %broadcast_in_dim3A_19 : vector<1x128xf32>
    %mul3A_25 = vector.broadcast %mul3A_24 : vector<1x128xf32> to vector<256x128xf32>
    %mul3A_26 = arith.mulf %mul3A_25, %dot_general3A_9 : vector<256x128xf32>
    %add3A = vector.broadcast %get3A_22 : vector<1x128xf32> to vector<256x128xf32>
    %add3A_27 = arith.addf %add3A, %mul3A_26 : vector<256x128xf32>
    %max3A = arith.constant 9.99999974E-6 : f32
    %max3A_28 = vector.broadcast %max3A : f32 to vector<256x128xf32>
    %max3A_29 = arith.maximumf %add3A_27, %max3A_28 : vector<256x128xf32>
    %swap3A = arith.constant 0 : index
    %swap3A_30 = arith.constant 0 : index
    %swap3A_31 = vector.load %arg6[%swap3A, %swap3A_30] : memref<256x128xf32, #tpu.memory_space<vmem>>, vector<256x128xf32>
    tpu.vector_store %arg6[%swap3A, %swap3A_30], %max3A_29 {strides = array<i32>} : memref<256x128xf32, #tpu.memory_space<vmem>>, vector<256x128xf32>,
    %get3A_32 = arith.constant 0 : index
    %get3A_33 = vector.load %arg4[%get3A_32] : memref<512xi32, #tpu.memory_space<vmem>>, vector<512xi32>
    %mul3A_34 = arith.constant 128 : i32
    %mul3A_35 = vector.broadcast %mul3A_34 : i32 to vector<512xi32>
    %mul3A_36 = arith.muli %get3A_33, %mul3A_35 : vector<512xi32>
    %get3A_37 = arith.constant 0 : index
    %get3A_38 = vector.load %arg5[%get3A_37] : memref<512xi32, #tpu.memory_space<vmem>>, vector<512xi32>
    %add3A_39 = arith.addi %mul3A_36, %get3A_38 : vector<512xi32>
    %swap3A_40 = arith.constant 0 : index
    %swap3A_41 = vector.load %arg7[%swap3A_40] : memref<512xi32, #tpu.memory_space<vmem>>, vector<512xi32>
    tpu.vector_store %arg7[%swap3A_40], %add3A_39 {strides = array<i32>} : memref<512xi32, #tpu.memory_space<vmem>>, vector<512xi32>,
    return
  }
}

</mosaic_0001>

<sc_bundles>
// kernel: kernel.4.cloned.1.call-start
scs
__scs_entry_jumppad:
0x0: {  	(pc) =	sbr.rel $0x88, $3  }
0x1: {  	(tag) =	ssettag $0x0;
	lr =	simm.s32 $0x1  }
0x2: {  	[smem:$0x3F9B] =	sst lr;
	_ =	strace $0xD0000000  }
0x3: {  	_ = 	snop  }
0x4: {  	_ = 	snop  }
0x5: {  	_ = 	snop  }
0x6: {  	_ = 	snop  }
0x7: {  	_ = 	snop  }
__scs_overlays_trampoline_lowered:
0x8: {  	[smem:$0x3FAA] =	sst s0  }
0x9: {  	[smem:$0x3FAB] =	sst s1  }
0xa: {  	[smem:$0x3FAC] =	sst s2  }
0xb: {  	[smem:$0x3FAD] =	sst s3  }
0xc: {  	[smem:$0x3FAE] =	sst s4  }
0xd: {  	[smem:$0x3FAF] =	sst s5  }
0xe: {  	[smem:$0x3FB0] =	sst s6  }
0xf: {  	[smem:$0x3FB1] =	sst s7  }
0x10: {  	[smem:$0x3FB2] =	sst s8  }
0x11: {  	[smem:$0x3FB3] =	sst s9;
	s0 =	simm.s32 @!p0 $0x0  }
0x12: {  	s1 =	sld [smem:$0x3F99];
	s0 =	simm.s32 @p0 $0x1  }
0x13: {  	[smem:$0x3FB4] =	sst s0;
	s0 =	simm.s32 @!p1 $0x0  }
0x14: {  	s2 =	sld [smem:$0x3F98];
	s0 =	simm.s32 @p1 $0x1  }
0x15: {  	[smem:$0x3FB5] =	sst s0;
	s0 =	simm.s32 @!p2 $0x0  }
0x16: {  	s3 =	sld [smem:$0x3FDB];
	s0 =	simm.s32 @p2 $0x1  }
0x17: {  	s4 =	simm.s32 $0x1BF5;
	[smem:$0x3FB7] =	sst s0  }
0x18: {  	s0 =	sld [smem:$0x3F9A];
	_ =	swait.ge [sflag:s4], $0x0  }
0x19: {  	s7 =	sld [smem:$0x3F9B]  }
0x1a: {  	s8 =	sadd.s32 $0xFFFFE003, lr  }
0x1b: {  	s9 =	sadd.s32 $0xFFFFFEF7, lr;
	s5 =	simm.s32 $0xFFFFFFFF;
	p2 =	slt.u32 s8, $0xFFFFF086  }
0x1c: {  	p1 =	slt.u32 s9, $0xF7A;
	s5 =	simm.s32 @!p2 $0x0  }
0x1d: {  	s5 =	simm.s32 @p1 $0x1;
	p0 =	seq.s32 s7, s2  }
0x1e: {  	s7 =	smul.u32 @!p0 $0xF7A, s2;
	p2 =	seq.s32 @!p0 s5, $0x0  }
0x1f: {  	s9 =	smul.u32 $0xF7A, s1;
	s8 =	simm.s32 @!p0 $0x1BF5;
	p2 =	por !p2, p0  }
0x20: {  	[sflag:s8] =	ssyncset.s32 @!p0 $0xFFFFF086;
	s6 =	sadd.s32 @!p0 s3, s7;
	s7 =	simm.s32 @!p0 $0x108  }
0x21: {  	s3 =	sadd.s32 s3, s9;
	s6 =	sadd.s32 @!p0 $0x88, s6;
	s7 =	simm.s32 @p2 $0x1082  }
0x22: {  	[simem:s7], [sflag:s8] =	dma.local @!p0 [hbm:s6], $0xF7A  }
0x23: {  	s9 =	sor.u32 $0xD0000000, s2;
	s6 =	simm.s32 $0x108;
	_ =	swait.ge @!p0 [sflag:s8], $0x0  }
0x24: {  	s3 =	sadd.s32 $0x88, s3;
	s6 =	simm.s32 @!p1 $0x1082;
	[sflag:s4] =	ssyncset.s32 $0xFFFFF086  }
0x25: {  	[simem:s6], [sflag:s4] =	dma.local [hbm:s3], $0xF7A  }
0x26: {  	[smem:$0x3F9B] =	sst s1;
	(tag) =	ssettag s2;
	_ =	strace s9  }
0x27: {  	s1 =	sld [smem:$0x3FAB]  }
0x28: {  	s2 =	sld [smem:$0x3FAC]  }
0x29: {  	s4 =	sld [smem:$0x3FAE]  }
0x2a: {  	p0 =	seq.s32 s5, $0x0;
	s5 =	sld [smem:$0x3FAF]  }
0x2b: {  	s6 =	sld [smem:$0x3FB0]  }
0x2c: {  	s7 =	sld [smem:$0x3FB1]  }
0x2d: {  	s3 =	simm.s32 $0x108;
	s8 =	sld [smem:$0x3FB2]  }
0x2e: {  	s3 =	simm.s32 @!p0 $0x1082;
	s9 =	sld [smem:$0x3FB3]  }
0x2f: {  	lr =	sadd.s32 s0, s3;
	s0 =	sld [smem:$0x3FAA]  }
0x30: {  	s3 =	sld [smem:$0x3FAD]  }
0x31: {  	[smem:$0x3FB6] =	sst s10  }
0x32: {  	s10 =	sld [smem:$0x3FB4];
	_ =	sdelay $0x3  }
0x33: {  	p0 =	seq.s32 s10, $0x1;
	s10 =	sld [smem:$0x3FB6];
	_ =	sdelay $0x3  }
0x34: {  	[smem:$0x3FB6] =	sst s10  }
0x35: {  	s10 =	sld [smem:$0x3FB5];
	_ =	sdelay $0x3  }
0x36: {  	p1 =	seq.s32 s10, $0x1;
	s10 =	sld [smem:$0x3FB6];
	_ =	sdelay $0x3  }
0x37: {  	[smem:$0x3FB6] =	sst s10  }
0x38: {  	s10 =	sld [smem:$0x3FB7]  }
0x39: {  	_ = 	snop;
	(pc) =	sbr.ind lr, $3  }
0x3a: {  	_ = 	snop  }
0x3b: {  	_ = 	snop  }
0x3c: {  	p2 =	seq.s32 s10, $0x1;
	s10 =	sld [smem:$0x3FB6]  }
0x3d: {  	_ =	shalt  }
0x3e: {  	_ =	shalt  }
0x3f: {  	_ =	shalt  }
0x40: {  	_ =	shalt  }
0x41: {  	_ =	shalt  }
0x42: {  	_ =	shalt  }
0x43: {  	_ =	shalt  }
0x44: {  	_ =	shalt  }
0x45: {  	_ =	shalt  }
0x46: {  	_ =	shalt  }
0x47: {  	_ =	shalt  }
0x48: {  	_ =	shalt  }
0x49: {  	_ =	shalt  }
0x4a: {  	_ =	shalt  }
0x4b: {  	_ =	shalt  }
0x4c: {  	_ =	shalt  }
0x4d: {  	_ =	shalt  }
0x4e: {  	_ =	shalt  }
0x4f: {  	_ =	shalt  }
0x50: {  	_ =	shalt  }
0x51: {  	_ =	shalt  }
0x52: {  	_ =	shalt  }
0x53: {  	_ =	shalt  }
0x54: {  	_ =	shalt  }
0x55: {  	_ =	shalt  }
0x56: {  	_ =	shalt  }
0x57: {  	_ =	shalt  }
0x58: {  	_ =	shalt  }
0x59: {  	_ =	shalt  }
0x5a: {  	_ =	shalt  }
0x5b: {  	_ =	shalt  }
0x5c: {  	_ =	shalt  }
0x5d: {  	_ =	shalt  }
0x5e: {  	_ =	shalt  }
0x5f: {  	_ =	shalt  }
0x60: {  	_ =	shalt  }
0x61: {  	_ =	shalt  }
0x62: {  	_ =	shalt  }
0x63: {  	_ =	shalt  }
0x64: {  	_ =	shalt  }
0x65: {  	_ =	shalt  }
0x66: {  	_ =	shalt  }
0x67: {  	_ =	shalt  }
0x68: {  	_ =	shalt  }
0x69: {  	_ =	shalt  }
0x6a: {  	_ =	shalt  }
0x6b: {  	_ =	shalt  }
0x6c: {  	_ =	shalt  }
0x6d: {  	_ =	shalt  }
0x6e: {  	_ =	shalt  }
0x6f: {  	_ =	shalt  }
0x70: {  	_ =	shalt  }
0x71: {  	_ =	shalt  }
0x72: {  	_ =	shalt  }
0x73: {  	_ =	shalt  }
0x74: {  	_ =	shalt  }
0x75: {  	_ =	shalt  }
0x76: {  	_ =	shalt  }
0x77: {  	_ =	shalt  }
0x78: {  	_ =	shalt  }
0x79: {  	_ =	shalt  }
0x7a: {  	_ =	shalt  }
0x7b: {  	_ =	shalt  }
0x7c: {  	_ =	shalt  }
0x7d: {  	_ =	shalt  }
0x7e: {  	_ =	shalt  }
0x7f: {  	_ =	shalt  }
0x80: {  	_ =	shalt  }
0x81: {  	_ =	shalt  }
0x82: {  	_ =	shalt  }
0x83: {  	_ =	shalt  }
0x84: {  	_ =	shalt  }
0x85: {  	_ =	shalt  }
0x86: {  	_ =	shalt  }
0x87: {  	_ =	shalt  }
.Lfunc_end0:
.L_simem_size_0:
called_computation_lowered:
.L_overlay_start_0:
0x88: {  	s0 =	sld [smem:$0x3FD9]  }
0x89: {  	s1 =	sld [smem:$0x3FFE];
	_ =	sdelay $0x3  }
0x8a: {  	s0 =	sadd.s32 s1, s0  }
0x8b: {  	[smem:$0x3FC2] =	sst s0  }
0x8c: {  	_ = 	snop  }
0x8d: {  	s0 =	sld [smem:$0x3FD0];
	(tm) =	ssettm $0x1  }
0x8e: {  	s16 =	sld [smem:$0x3FFB];
	_ =	sdelay $0x3  }
0x8f: {  	_ =	strace s16  }
0x90: {  	s1 =	sld [smem:$0x3FFC];
	_ =	sdelay $0x3  }
0x91: {  	_ =	strace s1  }
0x92: {  	s1 =	sld [smem:$0x3FFD];
	_ =	sdelay $0x3  }
0x93: {  	_ =	strace s1  }
0x94: {  	_ =	strace $0x8FFFFFFF  }
0x95: {  	s17 =	sld [smem:$0x3FDB];
	_ =	sdelay $0x1  }
0x96: {  	s2 =	simm.s32 $_scs_section_size  }
0x97: {  	s3 =	simm.s32 $_size__tile_overlayer_lowered;
	s4 =	simm.s32 $_tile_overlayer_lowered  }
0x98: {  	s20 =	simm.s32 $0x1BFF;
	s19 =	sshll.u32 s4, $0x1;
	s1 =	sadd.s32 s2, s17  }
0x99: {  	s5 =	simm.s32 $0x0;
	s18 =	sshll.u32 s3, $0x1;
	s3 =	sadd.s32 s19, s1  }
0x9a: {  	[timem:s5], [sflag:s20] =	dma.local [hbm:s3], s18  }
0x9b: {  	_ =	swait.ge [sflag:s20], s18  }
0x9c: {  	s2 =	ssub.s32 $0x0, s18;
	[sflag:s20] =	ssyncset.done $0x0  }
0x9d: {  	[sflag:s20] =	ssyncadd.s32 s2;
	_ =	sdelay $0x1  }
0x9e: {  	s21 =	simm.s32 $0x1B8B  }
0x9f: {  	_ =	swait.ge [sflag:s21], $0x1  }
0xa0: {  	[sflag:s21] =	ssyncset.done $0x0  }
0xa1: {  	s23 =	simm.s32 $0x1B8E;
	s22 =	sld [smem:$0x3FFE];
	[sflag:s21] =	ssyncadd.s32 $0xFFFFFFFF  }
0xa2: {  	s24 =	simm.s32 $execute0_lowered;
	[smem:$0x3FD2] =	sst s23  }
0xa3: {  	s3 =	sshll.u32 s24, $0x1;
	_ =	strace $0x80000046;
	[dreg:$0x1] =	wrdreg $0xFFFFFFFF  }
0xa4: {  	s25 =	simm.s32 $_size_execute0_lowered;
	s1 =	sadd.s32 s1, s3;
	[dreg:$0x0] =	wrdreg $0x0  }
0xa5: {  	s3 =	sshll.u32 s25, $0x1;
	[dreg:$0x2] =	wrdreg s1  }
0xa6: {  	[dreg:$0x3] =	wrdreg s3  }
0xa7: {  	[dreg:$0x4] =	wrdreg $0xC0  }
0xa8: {  	_ =	task [dreg:s5], $0x5FFFF  }
0xa9: {  	[dreg:$0x1] =	wrdreg $0xFFFFFFFF  }
0xaa: {  	[dreg:$0x0] =	wrdreg $0x60  }
0xab: {  	[dreg:$0x2] =	wrdreg s22  }
0xac: {  	[dreg:$0x3] =	wrdreg s0  }
0xad: {  	[dreg:$0x4] =	wrdreg $0x9  }
0xae: {  	_ =	task.clear_ibuf [dreg:s5], $0x5FFFF;
	_ =	strace $0x90000046  }
0xaf: {  	s26 =	simm.s32 $0x9;
	_ =	strace $0x80000048  }
0xb0: {  	_ =	swait.ge [sflag:s26], $0x1  }
0xb1: {  	[sflag:s26] =	ssyncadd.s32 $0xFFFFFFFF  }
0xb2: {  	_ =	strace $0x90000048  }
0xb3: {  	_ =	sfence  }
0xb4: {  	s28 =	sld [smem:$0x0];
	_ =	sdelay $0x1  }
0xb5: {  	s29 =	srdreg.scid  }
0xb6: {  	s30 =	sshll.u32 s29, $0xD;
	s31 =	sshrl.u32 s29, $0x2  }
0xb7: {  	s2 =	sand.u32 $0x4000, s30;
	s1 =	sand.u32 $0x1, s29;
	s0 =	sadd.s32 s31, s28  }
0xb8: {  	s1 =	sor.u32 s2, s1;
	s0 =	sshll.u32 s0, $0x11  }
0xb9: {  	s0 =	sor.u32 s0, s1  }
0xba: {  	s0 =	sadd.s32 $0x8F2B, s0  }
0xbb: {  	[sflag:s0] =	ssyncadd.remote.s32 $0x1  }
0xbc: {  	_ =	sfence.sel $0xFFFF  }
0xbd: {  	[dreg:$0x0] =	wrdreg $0xFFFFFFFF;
	(pc) =	sbr.abs _section_cstart, $3  }
0xbe: {  	[dreg:$0x1] =	wrdreg $0xFFFFFFFF  }
0xbf: {  	_ =	task.clear_ibuf [dreg:s5], $0x2FFFF;
	_ =	strace $0x9FFFFFFF  }
0xc0: {  	(tm) =	ssettm $0x7FFFFFFF  }
0xc1: {  	_ =	shalt  }
tec
execute0_lowered:
.L_overlay_start_1:
0x0: {  	(tag) =	ssettag $0x1  }
0x1: {  	s0 =	rddreg [dreg:$0x0]  }
0x2: {  	s1 =	rddreg [dreg:$0x1];
	s2 =	stileid.u32  }
0x3: {  	s3 =	rddreg [dreg:$0x2];
	s4 =	simm.s32 $0x0;
	s5 =	sshll.u32 s2, $0x2  }
0x4: {  	[smem:$0x7FF] =	sst s4;
	s6 =	sadd.s32 s5, s0  }
0x5: {  	s30 =	simm.s32 $0x2;
	_ =	strace $0x80000047;
	s6 =	sadd.s32 $0x2400, s6  }
0x6: {  	[tilespmem:s4], [sflag:$0x2] =	stream.linear.gather [hbm4b:s6+s4], $0x20, $0x38;
	[tilespmem:$0x100] =	vst v63  }
0x7: {  	_ =	swait.ge [sflag:s30], $0x20  }
0x8: {  	s7 =	simm.s32 $0x20;
	s8 =	simm.s32 $0x80;
	[sflag:s30] =	ssyncset.done $0x0  }
0x9: {  	s31 =	simm.s32 $0x1;
	s0 =	sadd.s32 $0x1400, s0;
	[sflag:s30] =	ssyncadd.s32 $0xFFFFFFE0  }
0xa: {  	[tilespmem:s8], [sflag:$0x1] =	stream.indirect.gather [hbm4b:s0+s7], $0x1, s4, s7, $0xb8;
	[tilespmem:$0x100] =	vst v63  }
0xb: {  	_ =	swait.ge [sflag:s31], $0x20  }
0xc: {  	[sflag:s31] =	ssyncset.done $0x0  }
0xd: {  	s1 =	sadd.s32 s1, s5;
	[sflag:s31] =	ssyncadd.s32 $0xFFFFFFE0  }
0xe: {  	[hbm4b:s1+s4] =	stream.linear.scatter [tilespmem:s8], [sflag:$0x2], $0x20, $0x38;
	[tilespmem:$0x100] =	vst v63  }
0xf: {  	_ =	swait.ge [sflag:s30], $0x20  }
0x10: {  	[sflag:s30] =	ssyncset.done $0x0  }
0x11: {  	[sflag:s30] =	ssyncadd.s32 $0xFFFFFFE0  }
0x12: {  	_ =	sfence.sel $0x180000  }
0x13: {  	[bflag:$0x0] =	sbarrier.arrive $0xFFFF  }
0x14: {  	p0 =	sne.s32 s2, $0x0;
	_ =	strace $0x90000047  }
0x15: {  	s0 =	sadd.s32 @!p0 $0x100000, s3;
	[bflag:$0x2] =	sbarrier.arrive $0xFFFF  }
0x16: {  	[sflag:s0] =	ssyncadd.tile.s32 @!p0 $0x1;
	_ =	shalt  }
.Lfunc_end2:
_tile_overlayer_lowered:
.L_overlay_start_2:
0x17: {  	(tag) =	ssettag $0x2  }
0x18: {  	s0 =	rddreg [dreg:$0x0];
	s2 =	stileid.u32  }
0x19: {  	s1 =	rddreg [dreg:$0x1];
	p0 =	sne.s32 s2, $0x0  }
0x1a: {  	s3 =	rddreg [dreg:$0x2];
	[bflag:$0x3] =	sbarrier.arrive $0xFFFF;
	s2 =	simm.s32 @!p0 $0x1C02  }
0x1b: {  	[timem:s3], [sflag:s2] =	dma.local @!p0 [hbm:s0], s1  }
0x1c: {  	s0 =	simm.s32 @!p0 $0x2  }
0x1d: {  	_ =	swait.ge @!p0 [sflag:s0], s1  }
0x1e: {  	s1 =	ssub.s32 @!p0 $0x0, s1;
	[sflag:s0] =	ssyncset.done @!p0 $0x0  }
0x1f: {  	[sflag:s0] =	ssyncadd.s32 @!p0 s1  }
0x20: {  	[bflag:$0x3] =	sbarrier.arrive $0xFFFF  }
0x21: {  	_ =	shalt  }

</sc_bundles>
